<compile_context>
chip_gen: v7x
topology: tpu7x:2x2x1
jax: 0.10.2.dev20260603
libtpu: 0.0.44.dev20260713+nightly
codegen_flags: <defaults>
</compile_context>

<pallas_src>
import functools

import jax
import jax.numpy as jnp
from jax import lax
from jax.experimental import pallas as pl
from jax.experimental.pallas import tpu as pltpu
from jax.experimental.pallas import tpu_sc as plsc

N_TOK = 4096
K_CB = 8192
D_LAT = 32

RB_ARGMAX = 256
RB_CDIST = 512

_SC_CORES = 2
_SC_SUBCORES = 16
_SC_WORKERS = _SC_CORES * _SC_SUBCORES
_TOK_PER_W = N_TOK // _SC_WORKERS


def _prep_body(cb_ref, cm_ref, cs_ref, x_ref, rep_ref, rn_ref, r2t_ref,
               xn_ref):
    rep = cm_ref[...] + cs_ref[...] * cb_ref[...]
    rep_ref[...] = rep
    r2col = jnp.sum(rep * rep, axis=1, keepdims=True)
    n = jnp.sqrt(r2col)
    rn_ref[...] = rep / jnp.maximum(n, 1e-12)
    ones = jnp.ones((1, D_LAT), jnp.float32)
    r2t_ref[...] = lax.dot_general(ones, rep * rep,
                                   (((1,), (1,)), ((), ())),
                                   precision=lax.Precision.HIGHEST,
                                   preferred_element_type=jnp.float32)
    x = x_ref[...]
    xn2 = jnp.sum(x * x, axis=1, keepdims=True)
    xn_ref[...] = x / jnp.maximum(jnp.sqrt(xn2), 1e-12)


def _prep(codebook, c_mean, c_std, x):
    return pl.pallas_call(
        _prep_body,
        out_shape=(
            jax.ShapeDtypeStruct((K_CB, D_LAT), jnp.float32),
            jax.ShapeDtypeStruct((K_CB, D_LAT), jnp.float32),
            jax.ShapeDtypeStruct((1, K_CB), jnp.float32),
            jax.ShapeDtypeStruct((N_TOK, D_LAT), jnp.float32),
        ),
    )(codebook, c_mean.reshape(1, D_LAT), c_std.reshape(1, D_LAT), x)


def _argmax_body(x_ref, g_ref, rep_ref, r2t_ref, idx_ref):
    x = x_ref[...]
    mm = lax.dot_general(x.astype(jnp.bfloat16),
                         rep_ref[...].astype(jnp.bfloat16),
                         (((1,), (1,)), ((), ())),
                         preferred_element_type=jnp.float32)
    x2 = jnp.sum(x * x, axis=1, keepdims=True)
    d = x2 - 2.0 * mm + r2t_ref[...]
    v = g_ref[...] + (-d)
    m = jnp.max(v, axis=1, keepdims=True)
    col = lax.broadcasted_iota(jnp.int32, v.shape, 1)
    idx = jnp.min(jnp.where(v == m, col, K_CB), axis=1, keepdims=True)
    idx_ref[0] = idx


def _argmax(x, gumbel, rep, r2t):
    nblk = N_TOK // RB_ARGMAX
    out = pl.pallas_call(
        _argmax_body,
        grid=(nblk,),
        in_specs=[
            pl.BlockSpec((RB_ARGMAX, D_LAT), lambda i: (i, 0)),
            pl.BlockSpec((RB_ARGMAX, K_CB), lambda i: (i, 0)),
            pl.BlockSpec((K_CB, D_LAT), lambda i: (0, 0)),
            pl.BlockSpec((1, K_CB), lambda i: (0, 0)),
        ],
        out_specs=pl.BlockSpec((1, RB_ARGMAX, 1), lambda i: (i, 0, 0)),
        out_shape=jax.ShapeDtypeStruct((nblk, RB_ARGMAX, 1), jnp.int32),
    )(x, gumbel, rep, r2t)
    return out.reshape(N_TOK)


def _cdist_body(repb_ref, rep_ref, r2t_ref, sum_ref, min_ref):
    j = pl.program_id(0)
    repb = repb_ref[...]
    mm = lax.dot_general(repb.astype(jnp.bfloat16),
                         rep_ref[...].astype(jnp.bfloat16),
                         (((1,), (1,)), ((), ())),
                         preferred_element_type=jnp.float32)
    r2b = jnp.sum(repb * repb, axis=1, keepdims=True)
    sq = jnp.maximum(r2b + r2t_ref[...] - 2.0 * mm, 0.0)
    row = j * RB_CDIST + lax.broadcasted_iota(jnp.int32, sq.shape, 0)
    col = lax.broadcasted_iota(jnp.int32, sq.shape, 1)
    dd = jnp.sqrt(jnp.where(row == col, 1.0, sq))
    s = jnp.sum(dd) - jnp.float32(RB_CDIST)
    mn = jnp.min(dd)

    @pl.when(j == 0)
    def _():
        sum_ref[0, 0] = s
        min_ref[0, 0] = mn

    @pl.when(j != 0)
    def _():
        sum_ref[0, 0] = sum_ref[0, 0] + s
        min_ref[0, 0] = jnp.minimum(min_ref[0, 0], mn)


def _cdist_stats(rep, r2t):
    nblk = K_CB // RB_CDIST
    return pl.pallas_call(
        _cdist_body,
        grid=(nblk,),
        in_specs=[
            pl.BlockSpec((RB_CDIST, D_LAT), lambda j: (j, 0)),
            pl.BlockSpec((K_CB, D_LAT), lambda j: (0, 0)),
            pl.BlockSpec((1, K_CB), lambda j: (0, 0)),
        ],
        out_specs=(
            pl.BlockSpec((1, 1), lambda j: (0, 0), memory_space=pltpu.SMEM),
            pl.BlockSpec((1, 1), lambda j: (0, 0), memory_space=pltpu.SMEM),
        ),
        out_shape=(
            jax.ShapeDtypeStruct((1, 1), jnp.float32),
            jax.ShapeDtypeStruct((1, 1), jnp.float32),
        ),
    )(rep, rep, r2t)


def _sc_body(rep_hbm, rn_hbm, idx_hbm, q_hbm, selrn_hbm, counts_hbm,
             idx_v, rows_v, ones_v, zblk_v, shared, sem):
    c = lax.axis_index("c")
    s = lax.axis_index("s")
    wid = s * _SC_CORES + c
    base = wid * _TOK_PER_W

    zrows = K_CB // _SC_SUBCORES

    def zbody(i, _):
        zblk_v[i, :] = jnp.zeros((16,), jnp.float32)
        return _

    lax.fori_loop(0, zrows, zbody, None)
    pltpu.sync_copy(zblk_v, shared.at[pl.ds(s * zrows, zrows)])

    def obody(i, _):
        ones_v[i, :] = jnp.ones((16,), jnp.float32)
        return _

    lax.fori_loop(0, _TOK_PER_W, obody, None)

    pltpu.sync_copy(idx_hbm.at[pl.ds(base, _TOK_PER_W)], idx_v)
    pltpu.async_copy(rep_hbm.at[idx_v], rows_v, sem).wait()
    pltpu.sync_copy(rows_v, q_hbm.at[pl.ds(base, _TOK_PER_W)])
    pltpu.async_copy(rn_hbm.at[idx_v], rows_v, sem).wait()
    pltpu.sync_copy(rows_v, selrn_hbm.at[pl.ds(base, _TOK_PER_W)])

    plsc.subcore_barrier()
    pltpu.async_copy(ones_v, shared.at[idx_v], sem, add=True).wait()
    plsc.subcore_barrier()

    @pl.when(s == 0)
    def _():
        pltpu.sync_copy(shared, counts_hbm.at[c])


@functools.partial(jax.jit, static_argnums=())
def _sc_gather_hist(rep, rn, idx):
    mesh = plsc.VectorSubcoreMesh(core_axis_name="c", subcore_axis_name="s")
    f = pl.kernel(
        _sc_body,
        out_type=(
            jax.ShapeDtypeStruct((N_TOK, D_LAT), jnp.float32),
            jax.ShapeDtypeStruct((N_TOK, D_LAT), jnp.float32),
            jax.ShapeDtypeStruct((_SC_CORES, K_CB, 16), jnp.float32),
        ),
        mesh=mesh,
        scratch_types=[
            pltpu.VMEM((_TOK_PER_W,), jnp.int32),
            pltpu.VMEM((_TOK_PER_W, D_LAT), jnp.float32),
            pltpu.VMEM((_TOK_PER_W, 16), jnp.float32),
            pltpu.VMEM((K_CB // _SC_SUBCORES, 16), jnp.float32),
            pltpu.VMEM_SHARED((K_CB, 16), jnp.float32),
            pltpu.SemaphoreType.DMA,
        ],
        compiler_params=pltpu.CompilerParams(use_tc_tiling_on_sc=False),
    )
    return f(rep, rn, idx)


def _final_body(x_ref, q_ref, xn_ref, selrn_ref, counts_ref, sum_ref,
                min_ref, qf_ref, commit_ref, cbl_ref, perp_ref, selcos_ref,
                avg_ref, minv_ref, ggap_ref):
    x = x_ref[...]
    q = q_ref[...].astype(jnp.bfloat16).astype(jnp.float32)
    diff = x - q
    mse = jnp.sum(diff * diff) / (N_TOK * D_LAT)
    commit_ref[0, 0] = 0.25 * mse
    cbl_ref[0, 0] = mse
    qf = x + (q - x)
    qf_ref[...] = qf
    gd = x - qf
    ggap_ref[0, 0] = jnp.sqrt(jnp.sum(gd * gd))
    xnb = xn_ref[...].astype(jnp.bfloat16).astype(jnp.float32)
    srb = selrn_ref[...].astype(jnp.bfloat16).astype(jnp.float32)
    selcos_ref[0, 0] = jnp.sum(xnb * srb) / N_TOK
    counts = counts_ref[0, :, 0:1] + counts_ref[1, :, 0:1]
    p = counts / N_TOK
    perp_ref[0, 0] = jnp.exp(-jnp.sum(p * jnp.log(p + 1e-10)))
    avg_ref[0, 0] = sum_ref[0, 0] / (K_CB * (K_CB - 1))
    minv_ref[0, 0] = min_ref[0, 0]


def _finalize(x, q, xn, selrn, counts, sums, mins):
    scal = jax.ShapeDtypeStruct((1, 1), jnp.float32)
    vmem = pl.BlockSpec(memory_space=pltpu.VMEM)
    smem = pl.BlockSpec(memory_space=pltpu.SMEM)
    return pl.pallas_call(
        _final_body,
        in_specs=[vmem, vmem, vmem, vmem, vmem, smem, smem],
        out_specs=(vmem, smem, smem, smem, smem, smem, smem, smem),
        out_shape=(
            jax.ShapeDtypeStruct((N_TOK, D_LAT), jnp.float32),
            scal, scal, scal, scal, scal, scal, scal,
        ),
    )(x, q, xn, selrn, counts, sums, mins)


def kernel(latent, codebook, c_mean, c_std):
    B, S, D = latent.shape
    x = latent.reshape(-1, D)
    rep, rn, r2t, xn = _prep(codebook, c_mean, c_std, x)
    skey = jax.random.fold_in(jax.random.key(0), 123)
    gumbel = jax.random.gumbel(skey, (N_TOK, K_CB), jnp.float32)
    idx = _argmax(x, gumbel, rep, r2t)
    sums, mins = _cdist_stats(rep, r2t)
    q, selrn, counts = _sc_gather_hist(rep, rn, idx)
    (qf, commit, cbl, perp, selcos, avg, minv, ggap) = _finalize(
        x, q, xn, selrn, counts, sums, mins)
    return (qf.reshape(B, S, D), idx, commit[0, 0], cbl[0, 0], perp[0, 0],
            selcos[0, 0], avg[0, 0], minv[0, 0], ggap[0, 0])

# --- scband reference (transcript-rebuilt; emitter-appended) ---
"""Pipeline reference for scband-vector-quantizer-ste-73735998538501 (READ-ONLY COPY).

The authoritative reference and input builder live on the scoring server;
editing this copy changes nothing except your own understanding.
"""

import jax, jax.numpy as jnp
import numpy as np

NUM_TOKENS = 8192
LATENT_DIM = 32
BETA = 0.25
TEMP = 1.0


def _normalize(x, eps=1e-12):
    n = jnp.linalg.norm(x, axis=-1, keepdims=True)
    return x / jnp.maximum(n, eps)


def setup_inputs(seed: int = 0) -> dict:
    key = jax.random.key(seed)
    k1, k2 = jax.random.split(key)
    latent = jax.random.normal(k1, (1, 4096, LATENT_DIM), dtype=jnp.float32)
    codebook = jax.random.uniform(k2, (NUM_TOKENS, LATENT_DIM), minval=-1.0 / NUM_TOKENS, maxval=1.0 / NUM_TOKENS, dtype=jnp.float32)
    c_mean = jnp.zeros((LATENT_DIM,), dtype=jnp.float32)
    c_std = jnp.ones((LATENT_DIM,), dtype=jnp.float32)
    return {"latent": latent, "codebook": codebook, "c_mean": c_mean, "c_std": c_std}


def reference(latent, codebook, c_mean, c_std):
    B, S, D = latent.shape
    flat_input = latent.reshape(-1, D)
    rep = c_mean + c_std * codebook
    latent_normalized = _normalize(flat_input)
    codebook_normalized = _normalize(rep)
    cosine_sim = latent_normalized @ codebook_normalized.T
    distances = (jnp.sum(flat_input ** 2, axis=1, keepdims=True)
                 - 2.0 * flat_input @ rep.T
                 + jnp.sum(rep ** 2, axis=1))
    scaled_distances = distances / max(TEMP, 1e-05)
    soft_assign = jax.nn.softmax(-scaled_distances, axis=-1)
    # torch.multinomial(soft_assign, 1) -> categorical sample from softmax(-scaled)
    skey = jax.random.fold_in(jax.random.key(0), 123)
    indices = jax.random.categorical(skey, -scaled_distances, axis=-1)
    hard_assign = jax.nn.one_hot(indices, NUM_TOKENS, dtype=jnp.float32)
    assign = hard_assign + soft_assign - jax.lax.stop_gradient(soft_assign)
    selected_cosine_sim = jnp.mean(cosine_sim[jnp.arange(flat_input.shape[0]), indices])
    # cdist(rep, rep) without materializing [K,K,D]
    r2 = jnp.sum(rep ** 2, axis=1)
    sq = jnp.maximum(r2[:, None] + r2[None, :] - 2.0 * rep @ rep.T, 0.0)
    eye = jnp.eye(NUM_TOKENS, dtype=bool)
    dist = jnp.sqrt(jnp.where(eye, 1.0, sq))
    offdiag = ~eye
    cnt = NUM_TOKENS * (NUM_TOKENS - 1)
    avg_euclidean = jnp.sum(jnp.where(offdiag, dist, 0.0)) / cnt
    min_euclidean = jnp.min(jnp.where(offdiag, dist, jnp.inf))
    quantized = (assign @ rep).reshape(B, S, D)
    commitment_loss = BETA * jnp.mean((jax.lax.stop_gradient(latent) - quantized) ** 2)
    codebook_loss = jnp.mean((latent - jax.lax.stop_gradient(quantized)) ** 2)
    quantized = latent + jax.lax.stop_gradient(quantized - latent)
    avg_probs = jnp.mean(hard_assign, axis=0)
    perplexity = jnp.exp(-jnp.sum(avg_probs * jnp.log(avg_probs + 1e-10)))
    non_quantized_grad = jax.lax.stop_gradient(flat_input)
    quantized_grad = jax.lax.stop_gradient(quantized)
    # torch broadcasts [S,D] with [1,S,D] (valid because B==1), then Frobenius norm
    gradient_gap = jnp.linalg.norm((non_quantized_grad - quantized_grad).reshape(-1))
    return (quantized, indices, commitment_loss, codebook_loss, perplexity,
            selected_cosine_sim, avg_euclidean, min_euclidean, gradient_gap)

if __name__ == "__main__":
    import jax
    _d = setup_inputs()
    print(jax.jit(kernel)(*tuple(_d.values())))

</pallas_src>

<mosaic_0001>
#map = affine_map<(d0, d1) -> (0, 0)>
#map1 = affine_map<(d0, d1) -> (0)>
#map2 = affine_map<(d0, d1) -> (0, 0, 0)>
module attributes {stable_mosaic.version = 14 : i64} {
  func.func @_sc_body(%arg0: i32, %arg1: i32, %arg2: memref<8192x32xf32, #tpu.memory_space<hbm>>, %arg3: memref<8192x32xf32, #tpu.memory_space<hbm>>, %arg4: memref<4096xi32, #tpu.memory_space<hbm>>, %arg5: memref<4096x32xf32, #tpu.memory_space<hbm>>, %arg6: memref<4096x32xf32, #tpu.memory_space<hbm>>, %arg7: memref<2x8192x16xf32, #tpu.memory_space<hbm>>, %arg8: memref<128xi32, #tpu.memory_space<vmem>>, %arg9: memref<128x32xf32, #tpu.memory_space<vmem>>, %arg10: memref<128x16xf32, #tpu.memory_space<vmem>>, %arg11: memref<512x16xf32, #tpu.memory_space<vmem>>, %arg12: memref<8192x16xf32, #tpu.memory_space<vmem_shared>>, %arg13: memref<!tpu.dma_semaphore, #tpu.memory_space<semaphore_mem>>) attributes {dimension_semantics = [#tpu.dimension_semantics<core_parallel>, #tpu.dimension_semantics<subcore_parallel>], iteration_bounds = array<i64: 2, 16>, scalar_prefetch = 0 : i64, scratch_operands = 6 : i64, tpu.core_type = #tpu.core_type<sc_vector_subcore>, window_params = [{transform_indices = #map}, {transform_indices = #map}, {transform_indices = #map1}, {transform_indices = #map}, {transform_indices = #map}, {transform_indices = #map2}]} {
    %mul3A = arith.constant 2 : i32
    %mul3A_0 = arith.muli %arg1, %mul3A : i32
    %add3A = arith.addi %mul3A_0, %arg0 : i32
    %mul3A_1 = arith.constant 128 : i32
    %mul3A_2 = arith.muli %add3A, %mul3A_1 : i32
    %scan3A = arith.constant 0 : i32
    %scan3A_3 = arith.constant 512 : i32
    %scan3A_4 = arith.addi %scan3A, %scan3A_3 : i32
    %scan3A_5 = arith.constant 1 : i32
    scf.for %scan3A_33 = %scan3A to %scan3A_4 step %scan3A_5  : i32 {
      %broadcast_in_dim3A = arith.constant 0.000000e+00 : f32
      %broadcast_in_dim3A_34 = vector.broadcast %broadcast_in_dim3A : f32 to vector<16xf32>
      %swap3A = arith.index_cast %scan3A_33 : i32 to index
      %swap3A_35 = arith.constant 0 : index
      %swap3A_36 = tpu.vector_load %arg11[%swap3A, %swap3A_35] {strides = array<i32>} : memref<512x16xf32, #tpu.memory_space<vmem>>, vector<1x16xf32>,
      %swap3A_37 = vector.shape_cast %swap3A_36 : vector<1x16xf32> to vector<16xf32>
      %swap3A_38 = vector.shape_cast %broadcast_in_dim3A_34 : vector<16xf32> to vector<1x16xf32>
      tpu.vector_store %arg11[%swap3A, %swap3A_35], %swap3A_38 {strides = array<i32>} : memref<512x16xf32, #tpu.memory_space<vmem>>, vector<1x16xf32>,
    }
    %scan3A_6 = arith.constant 512 : i32
    %mul3A_7 = arith.constant 512 : i32
    %mul3A_8 = arith.muli %arg1, %mul3A_7 : i32
    "tpu.region"() ({
      %run_scoped3A = tpu.sem_alloc : memref<!tpu.dma_semaphore, #tpu.memory_space<semaphore_mem>>
      %dma_start3A_33 = arith.constant 0 : i32
      %dma_start3A_34 = tpu.memref_slice %arg12[%mul3A_8, %dma_start3A_33] : memref<8192x16xf32, #tpu.memory_space<vmem_shared>> -> memref<512x16xf32, #tpu.memory_space<vmem_shared>>
      %dma_start3A_35 = arith.constant 0 : i32
      %dma_start3A_36 = tpu.memref_slice %arg12[%mul3A_8, %dma_start3A_35] : memref<8192x16xf32, #tpu.memory_space<vmem_shared>> -> memref<512x16xf32, #tpu.memory_space<vmem_shared>>
      tpu.enqueue_dma source(%arg11 : memref<512x16xf32, #tpu.memory_space<vmem>>) target(%dma_start3A_36 : memref<512x16xf32, #tpu.memory_space<vmem_shared>>) target_semaphore(%run_scoped3A : memref<!tpu.dma_semaphore, #tpu.memory_space<semaphore_mem>>)
      %dma_wait3A_37 = arith.constant 0 : i32
      %dma_wait3A_38 = tpu.memref_slice %arg12[%mul3A_8, %dma_wait3A_37] : memref<8192x16xf32, #tpu.memory_space<vmem_shared>> -> memref<512x16xf32, #tpu.memory_space<vmem_shared>>
      %dma_wait3A_39 = arith.constant 0 : i32
      %dma_wait3A_40 = tpu.memref_slice %arg12[%mul3A_8, %dma_wait3A_39] : memref<8192x16xf32, #tpu.memory_space<vmem_shared>> -> memref<512x16xf32, #tpu.memory_space<vmem_shared>>
      tpu.wait_dma2 semaphore(%run_scoped3A : memref<!tpu.dma_semaphore, #tpu.memory_space<semaphore_mem>>) src(%arg11 : memref<512x16xf32, #tpu.memory_space<vmem>>) dst(%dma_wait3A_40 : memref<512x16xf32, #tpu.memory_space<vmem_shared>>)
      tpu.yield
    }) : () -> ()
    %scan3A_9 = arith.constant 0 : i32
    %scan3A_10 = arith.constant 128 : i32
    %scan3A_11 = arith.addi %scan3A_9, %scan3A_10 : i32
    %scan3A_12 = arith.constant 1 : i32
    scf.for %scan3A_33 = %scan3A_9 to %scan3A_11 step %scan3A_12  : i32 {
      %broadcast_in_dim3A = arith.constant 1.000000e+00 : f32
      %broadcast_in_dim3A_34 = vector.broadcast %broadcast_in_dim3A : f32 to vector<16xf32>
      %swap3A = arith.index_cast %scan3A_33 : i32 to index
      %swap3A_35 = arith.constant 0 : index
      %swap3A_36 = tpu.vector_load %arg10[%swap3A, %swap3A_35] {strides = array<i32>} : memref<128x16xf32, #tpu.memory_space<vmem>>, vector<1x16xf32>,
      %swap3A_37 = vector.shape_cast %swap3A_36 : vector<1x16xf32> to vector<16xf32>
      %swap3A_38 = vector.shape_cast %broadcast_in_dim3A_34 : vector<16xf32> to vector<1x16xf32>
      tpu.vector_store %arg10[%swap3A, %swap3A_35], %swap3A_38 {strides = array<i32>} : memref<128x16xf32, #tpu.memory_space<vmem>>, vector<1x16xf32>,
    }
    %scan3A_13 = arith.constant 128 : i32
    "tpu.region"() ({
      %run_scoped3A = tpu.sem_alloc : memref<!tpu.dma_semaphore, #tpu.memory_space<semaphore_mem>>
      %dma_start3A_33 = tpu.memref_slice %arg4[%mul3A_2] : memref<4096xi32, #tpu.memory_space<hbm>> -> memref<128xi32, #tpu.memory_space<hbm>>
      %dma_start3A_34 = tpu.memref_slice %arg4[%mul3A_2] : memref<4096xi32, #tpu.memory_space<hbm>> -> memref<128xi32, #tpu.memory_space<hbm>>
      tpu.enqueue_dma source(%dma_start3A_34 : memref<128xi32, #tpu.memory_space<hbm>>) target(%arg8 : memref<128xi32, #tpu.memory_space<vmem>>) target_semaphore(%run_scoped3A : memref<!tpu.dma_semaphore, #tpu.memory_space<semaphore_mem>>)
      %dma_wait3A_35 = tpu.memref_slice %arg4[%mul3A_2] : memref<4096xi32, #tpu.memory_space<hbm>> -> memref<128xi32, #tpu.memory_space<hbm>>
      %dma_wait3A_36 = tpu.memref_slice %arg4[%mul3A_2] : memref<4096xi32, #tpu.memory_space<hbm>> -> memref<128xi32, #tpu.memory_space<hbm>>
      tpu.wait_dma2 semaphore(%run_scoped3A : memref<!tpu.dma_semaphore, #tpu.memory_space<semaphore_mem>>) src(%dma_wait3A_36 : memref<128xi32, #tpu.memory_space<hbm>>) dst(%arg8 : memref<128xi32, #tpu.memory_space<vmem>>)
      tpu.yield
    }) : () -> ()
    %dma_start3A = arith.constant 0 : i32
    %dma_start3A_14 = arith.constant 0 : i32
    %dma_start3A_15 = tpu.memref_slice %arg2[%dma_start3A, %dma_start3A_14] : memref<8192x32xf32, #tpu.memory_space<hbm>> -> memref<8192x32xf32, #tpu.memory_space<hbm>>
    tpu.enqueue_indirect_dma source(%dma_start3A_15 : memref<8192x32xf32, #tpu.memory_space<hbm>>) target(%arg9 : memref<128x32xf32, #tpu.memory_space<vmem>>) offsets(%arg8 : memref<128xi32, #tpu.memory_space<vmem>>) semaphore(%arg13 : memref<!tpu.dma_semaphore, #tpu.memory_space<semaphore_mem>>)
    %dma_wait3A = arith.constant 0 : i32
    %dma_wait3A_16 = arith.constant 0 : i32
    %dma_wait3A_17 = tpu.memref_slice %arg2[%dma_wait3A, %dma_wait3A_16] : memref<8192x32xf32, #tpu.memory_space<hbm>> -> memref<8192x32xf32, #tpu.memory_space<hbm>>
    tpu.wait_indirect_dma semaphore(%arg13 : memref<!tpu.dma_semaphore, #tpu.memory_space<semaphore_mem>>) src(%dma_wait3A_17 : memref<8192x32xf32, #tpu.memory_space<hbm>>) dst(%arg9 : memref<128x32xf32, #tpu.memory_space<vmem>>)
    "tpu.region"() ({
      %run_scoped3A = tpu.sem_alloc : memref<!tpu.dma_semaphore, #tpu.memory_space<semaphore_mem>>
      %dma_start3A_33 = arith.constant 0 : i32
      %dma_start3A_34 = tpu.memref_slice %arg5[%mul3A_2, %dma_start3A_33] : memref<4096x32xf32, #tpu.memory_space<hbm>> -> memref<128x32xf32, #tpu.memory_space<hbm>>
      %dma_start3A_35 = arith.constant 0 : i32
      %dma_start3A_36 = tpu.memref_slice %arg5[%mul3A_2, %dma_start3A_35] : memref<4096x32xf32, #tpu.memory_space<hbm>> -> memref<128x32xf32, #tpu.memory_space<hbm>>
      tpu.enqueue_dma source(%arg9 : memref<128x32xf32, #tpu.memory_space<vmem>>) target(%dma_start3A_36 : memref<128x32xf32, #tpu.memory_space<hbm>>) target_semaphore(%run_scoped3A : memref<!tpu.dma_semaphore, #tpu.memory_space<semaphore_mem>>)
      %dma_wait3A_37 = arith.constant 0 : i32
      %dma_wait3A_38 = tpu.memref_slice %arg5[%mul3A_2, %dma_wait3A_37] : memref<4096x32xf32, #tpu.memory_space<hbm>> -> memref<128x32xf32, #tpu.memory_space<hbm>>
      %dma_wait3A_39 = arith.constant 0 : i32
      %dma_wait3A_40 = tpu.memref_slice %arg5[%mul3A_2, %dma_wait3A_39] : memref<4096x32xf32, #tpu.memory_space<hbm>> -> memref<128x32xf32, #tpu.memory_space<hbm>>
      tpu.wait_dma2 semaphore(%run_scoped3A : memref<!tpu.dma_semaphore, #tpu.memory_space<semaphore_mem>>) src(%arg9 : memref<128x32xf32, #tpu.memory_space<vmem>>) dst(%dma_wait3A_40 : memref<128x32xf32, #tpu.memory_space<hbm>>)
      tpu.yield
    }) : () -> ()
    %dma_start3A_18 = arith.constant 0 : i32
    %dma_start3A_19 = arith.constant 0 : i32
    %dma_start3A_20 = tpu.memref_slice %arg3[%dma_start3A_18, %dma_start3A_19] : memref<8192x32xf32, #tpu.memory_space<hbm>> -> memref<8192x32xf32, #tpu.memory_space<hbm>>
    tpu.enqueue_indirect_dma source(%dma_start3A_20 : memref<8192x32xf32, #tpu.memory_space<hbm>>) target(%arg9 : memref<128x32xf32, #tpu.memory_space<vmem>>) offsets(%arg8 : memref<128xi32, #tpu.memory_space<vmem>>) semaphore(%arg13 : memref<!tpu.dma_semaphore, #tpu.memory_space<semaphore_mem>>)
    %dma_wait3A_21 = arith.constant 0 : i32
    %dma_wait3A_22 = arith.constant 0 : i32
    %dma_wait3A_23 = tpu.memref_slice %arg3[%dma_wait3A_21, %dma_wait3A_22] : memref<8192x32xf32, #tpu.memory_space<hbm>> -> memref<8192x32xf32, #tpu.memory_space<hbm>>
    tpu.wait_indirect_dma semaphore(%arg13 : memref<!tpu.dma_semaphore, #tpu.memory_space<semaphore_mem>>) src(%dma_wait3A_23 : memref<8192x32xf32, #tpu.memory_space<hbm>>) dst(%arg9 : memref<128x32xf32, #tpu.memory_space<vmem>>)
    "tpu.region"() ({
      %run_scoped3A = tpu.sem_alloc : memref<!tpu.dma_semaphore, #tpu.memory_space<semaphore_mem>>
      %dma_start3A_33 = arith.constant 0 : i32
      %dma_start3A_34 = tpu.memref_slice %arg6[%mul3A_2, %dma_start3A_33] : memref<4096x32xf32, #tpu.memory_space<hbm>> -> memref<128x32xf32, #tpu.memory_space<hbm>>
      %dma_start3A_35 = arith.constant 0 : i32
      %dma_start3A_36 = tpu.memref_slice %arg6[%mul3A_2, %dma_start3A_35] : memref<4096x32xf32, #tpu.memory_space<hbm>> -> memref<128x32xf32, #tpu.memory_space<hbm>>
      tpu.enqueue_dma source(%arg9 : memref<128x32xf32, #tpu.memory_space<vmem>>) target(%dma_start3A_36 : memref<128x32xf32, #tpu.memory_space<hbm>>) target_semaphore(%run_scoped3A : memref<!tpu.dma_semaphore, #tpu.memory_space<semaphore_mem>>)
      %dma_wait3A_37 = arith.constant 0 : i32
      %dma_wait3A_38 = tpu.memref_slice %arg6[%mul3A_2, %dma_wait3A_37] : memref<4096x32xf32, #tpu.memory_space<hbm>> -> memref<128x32xf32, #tpu.memory_space<hbm>>
      %dma_wait3A_39 = arith.constant 0 : i32
      %dma_wait3A_40 = tpu.memref_slice %arg6[%mul3A_2, %dma_wait3A_39] : memref<4096x32xf32, #tpu.memory_space<hbm>> -> memref<128x32xf32, #tpu.memory_space<hbm>>
      tpu.wait_dma2 semaphore(%run_scoped3A : memref<!tpu.dma_semaphore, #tpu.memory_space<semaphore_mem>>) src(%arg9 : memref<128x32xf32, #tpu.memory_space<vmem>>) dst(%dma_wait3A_40 : memref<128x32xf32, #tpu.memory_space<hbm>>)
      tpu.yield
    }) : () -> ()
    %barrier3A = arith.constant 0 : index
    tpu.barrier barrier_id(%barrier3A)
    %dma_start3A_24 = arith.constant 0 : i32
    %dma_start3A_25 = arith.constant 0 : i32
    %dma_start3A_26 = tpu.memref_slice %arg12[%dma_start3A_24, %dma_start3A_25] : memref<8192x16xf32, #tpu.memory_space<vmem_shared>> -> memref<8192x16xf32, #tpu.memory_space<vmem_shared>>
    tpu.enqueue_indirect_dma source(%arg10 : memref<128x16xf32, #tpu.memory_space<vmem>>) target(%dma_start3A_26 : memref<8192x16xf32, #tpu.memory_space<vmem_shared>>) offsets(%arg8 : memref<128xi32, #tpu.memory_space<vmem>>) semaphore(%arg13 : memref<!tpu.dma_semaphore, #tpu.memory_space<semaphore_mem>>) {add = true}
    %dma_wait3A_27 = arith.constant 0 : i32
    %dma_wait3A_28 = arith.constant 0 : i32
    %dma_wait3A_29 = tpu.memref_slice %arg12[%dma_wait3A_27, %dma_wait3A_28] : memref<8192x16xf32, #tpu.memory_space<vmem_shared>> -> memref<8192x16xf32, #tpu.memory_space<vmem_shared>>
    tpu.wait_indirect_dma semaphore(%arg13 : memref<!tpu.dma_semaphore, #tpu.memory_space<semaphore_mem>>) src(%arg10 : memref<128x16xf32, #tpu.memory_space<vmem>>) dst(%dma_wait3A_29 : memref<8192x16xf32, #tpu.memory_space<vmem_shared>>)
    %barrier3A_30 = arith.constant 0 : index
    tpu.barrier barrier_id(%barrier3A_30)
    %eq3A = arith.constant 0 : i32
    %eq3A_31 = arith.cmpi eq, %arg1, %eq3A : i32
    %convert_element_type3A = arith.extui %eq3A_31 : i1 to i32
    %cond3A = arith.constant 0 : i32
    %cond3A_32 = arith.cmpi ne, %convert_element_type3A, %cond3A : i32
    scf.if %cond3A_32 {
      "tpu.region"() ({
        %run_scoped3A = tpu.sem_alloc : memref<!tpu.dma_semaphore, #tpu.memory_space<semaphore_mem>>
        %dma_start3A_33 = arith.constant 0 : i32
        %dma_start3A_34 = arith.constant 0 : i32
        %dma_start3A_35 = tpu.memref_slice %arg7[%arg0, %dma_start3A_33, %dma_start3A_34] : memref<2x8192x16xf32, #tpu.memory_space<hbm>> -> memref<1x8192x16xf32, #tpu.memory_space<hbm>>
        %dma_start3A_36 = tpu.memref_squeeze %dma_start3A_35 : memref<1x8192x16xf32, #tpu.memory_space<hbm>> -> memref<8192x16xf32, #tpu.memory_space<hbm>>
        tpu.enqueue_dma source(%arg12 : memref<8192x16xf32, #tpu.memory_space<vmem_shared>>) target(%dma_start3A_36 : memref<8192x16xf32, #tpu.memory_space<hbm>>) target_semaphore(%run_scoped3A : memref<!tpu.dma_semaphore, #tpu.memory_space<semaphore_mem>>)
        %dma_wait3A_37 = arith.constant 0 : i32
        %dma_wait3A_38 = arith.constant 0 : i32
        %dma_wait3A_39 = tpu.memref_slice %arg7[%arg0, %dma_wait3A_37, %dma_wait3A_38] : memref<2x8192x16xf32, #tpu.memory_space<hbm>> -> memref<1x8192x16xf32, #tpu.memory_space<hbm>>
        %dma_wait3A_40 = tpu.memref_squeeze %dma_wait3A_39 : memref<1x8192x16xf32, #tpu.memory_space<hbm>> -> memref<8192x16xf32, #tpu.memory_space<hbm>>
        tpu.wait_dma2 semaphore(%run_scoped3A : memref<!tpu.dma_semaphore, #tpu.memory_space<semaphore_mem>>) src(%arg12 : memref<8192x16xf32, #tpu.memory_space<vmem_shared>>) dst(%dma_wait3A_40 : memref<8192x16xf32, #tpu.memory_space<hbm>>)
        tpu.yield
      }) : () -> ()
    } else {
    }
    return
  }
}

</mosaic_0001>

<sc_bundles>
// kernel: _sc_gather_hist.3.cloned.1.call-start
scs
__scs_entry_jumppad:
0x0: {  	(pc) =	sbr.rel $0x88, $3  }
0x1: {  	(tag) =	ssettag $0x0;
	lr =	simm.s32 $0x1  }
0x2: {  	[smem:$0x3F9E] =	sst lr;
	_ =	strace $0xD0000000  }
0x3: {  	_ = 	snop  }
0x4: {  	_ = 	snop  }
0x5: {  	_ = 	snop  }
0x6: {  	_ = 	snop  }
0x7: {  	_ = 	snop  }
__scs_overlays_trampoline_lowered:
0x8: {  	[smem:$0x3FAD] =	sst s0  }
0x9: {  	[smem:$0x3FAE] =	sst s1  }
0xa: {  	[smem:$0x3FAF] =	sst s2  }
0xb: {  	[smem:$0x3FB0] =	sst s3  }
0xc: {  	[smem:$0x3FB1] =	sst s4  }
0xd: {  	[smem:$0x3FB2] =	sst s5  }
0xe: {  	[smem:$0x3FB3] =	sst s6  }
0xf: {  	[smem:$0x3FB4] =	sst s7  }
0x10: {  	[smem:$0x3FB5] =	sst s8  }
0x11: {  	[smem:$0x3FB6] =	sst s9;
	s0 =	simm.s32 @!p0 $0x0  }
0x12: {  	s1 =	sld [smem:$0x3F9C];
	s0 =	simm.s32 @p0 $0x1  }
0x13: {  	[smem:$0x3FB7] =	sst s0;
	s0 =	simm.s32 @!p1 $0x0  }
0x14: {  	s2 =	sld [smem:$0x3F9B];
	s0 =	simm.s32 @p1 $0x1  }
0x15: {  	[smem:$0x3FB8] =	sst s0;
	s0 =	simm.s32 @!p2 $0x0  }
0x16: {  	s3 =	sld [smem:$0x3FDB];
	s0 =	simm.s32 @p2 $0x1  }
0x17: {  	s4 =	simm.s32 $0x1BF5;
	[smem:$0x3FBA] =	sst s0  }
0x18: {  	s0 =	sld [smem:$0x3F9D];
	_ =	swait.ge [sflag:s4], $0x0  }
0x19: {  	s7 =	sld [smem:$0x3F9E]  }
0x1a: {  	s8 =	sadd.s32 $0xFFFFE003, lr  }
0x1b: {  	s9 =	sadd.s32 $0xFFFFFEF7, lr;
	s5 =	simm.s32 $0xFFFFFFFF;
	p2 =	slt.u32 s8, $0xFFFFF086  }
0x1c: {  	p1 =	slt.u32 s9, $0xF7A;
	s5 =	simm.s32 @!p2 $0x0  }
0x1d: {  	s5 =	simm.s32 @p1 $0x1;
	p0 =	seq.s32 s7, s2  }
0x1e: {  	s7 =	smul.u32 @!p0 $0xF7A, s2;
	p2 =	seq.s32 @!p0 s5, $0x0  }
0x1f: {  	s9 =	smul.u32 $0xF7A, s1;
	s8 =	simm.s32 @!p0 $0x1BF5;
	p2 =	por !p2, p0  }
0x20: {  	[sflag:s8] =	ssyncset.s32 @!p0 $0xFFFFF086;
	s6 =	sadd.s32 @!p0 s3, s7;
	s7 =	simm.s32 @!p0 $0x108  }
0x21: {  	s3 =	sadd.s32 s3, s9;
	s6 =	sadd.s32 @!p0 $0x88, s6;
	s7 =	simm.s32 @p2 $0x1082  }
0x22: {  	[simem:s7], [sflag:s8] =	dma.local @!p0 [hbm:s6], $0xF7A  }
0x23: {  	s9 =	sor.u32 $0xD0000000, s2;
	s6 =	simm.s32 $0x108;
	_ =	swait.ge @!p0 [sflag:s8], $0x0  }
0x24: {  	s3 =	sadd.s32 $0x88, s3;
	s6 =	simm.s32 @!p1 $0x1082;
	[sflag:s4] =	ssyncset.s32 $0xFFFFF086  }
0x25: {  	[simem:s6], [sflag:s4] =	dma.local [hbm:s3], $0xF7A  }
0x26: {  	[smem:$0x3F9E] =	sst s1;
	(tag) =	ssettag s2;
	_ =	strace s9  }
0x27: {  	s1 =	sld [smem:$0x3FAE]  }
0x28: {  	s2 =	sld [smem:$0x3FAF]  }
0x29: {  	s4 =	sld [smem:$0x3FB1]  }
0x2a: {  	p0 =	seq.s32 s5, $0x0;
	s5 =	sld [smem:$0x3FB2]  }
0x2b: {  	s6 =	sld [smem:$0x3FB3]  }
0x2c: {  	s7 =	sld [smem:$0x3FB4]  }
0x2d: {  	s3 =	simm.s32 $0x108;
	s8 =	sld [smem:$0x3FB5]  }
0x2e: {  	s3 =	simm.s32 @!p0 $0x1082;
	s9 =	sld [smem:$0x3FB6]  }
0x2f: {  	lr =	sadd.s32 s0, s3;
	s0 =	sld [smem:$0x3FAD]  }
0x30: {  	s3 =	sld [smem:$0x3FB0]  }
0x31: {  	[smem:$0x3FB9] =	sst s10  }
0x32: {  	s10 =	sld [smem:$0x3FB7];
	_ =	sdelay $0x3  }
0x33: {  	p0 =	seq.s32 s10, $0x1;
	s10 =	sld [smem:$0x3FB9];
	_ =	sdelay $0x3  }
0x34: {  	[smem:$0x3FB9] =	sst s10  }
0x35: {  	s10 =	sld [smem:$0x3FB8];
	_ =	sdelay $0x3  }
0x36: {  	p1 =	seq.s32 s10, $0x1;
	s10 =	sld [smem:$0x3FB9];
	_ =	sdelay $0x3  }
0x37: {  	[smem:$0x3FB9] =	sst s10  }
0x38: {  	s10 =	sld [smem:$0x3FBA]  }
0x39: {  	_ = 	snop;
	(pc) =	sbr.ind lr, $3  }
0x3a: {  	_ = 	snop  }
0x3b: {  	_ = 	snop  }
0x3c: {  	p2 =	seq.s32 s10, $0x1;
	s10 =	sld [smem:$0x3FB9]  }
0x3d: {  	_ =	shalt  }
0x3e: {  	_ =	shalt  }
0x3f: {  	_ =	shalt  }
0x40: {  	_ =	shalt  }
0x41: {  	_ =	shalt  }
0x42: {  	_ =	shalt  }
0x43: {  	_ =	shalt  }
0x44: {  	_ =	shalt  }
0x45: {  	_ =	shalt  }
0x46: {  	_ =	shalt  }
0x47: {  	_ =	shalt  }
0x48: {  	_ =	shalt  }
0x49: {  	_ =	shalt  }
0x4a: {  	_ =	shalt  }
0x4b: {  	_ =	shalt  }
0x4c: {  	_ =	shalt  }
0x4d: {  	_ =	shalt  }
0x4e: {  	_ =	shalt  }
0x4f: {  	_ =	shalt  }
0x50: {  	_ =	shalt  }
0x51: {  	_ =	shalt  }
0x52: {  	_ =	shalt  }
0x53: {  	_ =	shalt  }
0x54: {  	_ =	shalt  }
0x55: {  	_ =	shalt  }
0x56: {  	_ =	shalt  }
0x57: {  	_ =	shalt  }
0x58: {  	_ =	shalt  }
0x59: {  	_ =	shalt  }
0x5a: {  	_ =	shalt  }
0x5b: {  	_ =	shalt  }
0x5c: {  	_ =	shalt  }
0x5d: {  	_ =	shalt  }
0x5e: {  	_ =	shalt  }
0x5f: {  	_ =	shalt  }
0x60: {  	_ =	shalt  }
0x61: {  	_ =	shalt  }
0x62: {  	_ =	shalt  }
0x63: {  	_ =	shalt  }
0x64: {  	_ =	shalt  }
0x65: {  	_ =	shalt  }
0x66: {  	_ =	shalt  }
0x67: {  	_ =	shalt  }
0x68: {  	_ =	shalt  }
0x69: {  	_ =	shalt  }
0x6a: {  	_ =	shalt  }
0x6b: {  	_ =	shalt  }
0x6c: {  	_ =	shalt  }
0x6d: {  	_ =	shalt  }
0x6e: {  	_ =	shalt  }
0x6f: {  	_ =	shalt  }
0x70: {  	_ =	shalt  }
0x71: {  	_ =	shalt  }
0x72: {  	_ =	shalt  }
0x73: {  	_ =	shalt  }
0x74: {  	_ =	shalt  }
0x75: {  	_ =	shalt  }
0x76: {  	_ =	shalt  }
0x77: {  	_ =	shalt  }
0x78: {  	_ =	shalt  }
0x79: {  	_ =	shalt  }
0x7a: {  	_ =	shalt  }
0x7b: {  	_ =	shalt  }
0x7c: {  	_ =	shalt  }
0x7d: {  	_ =	shalt  }
0x7e: {  	_ =	shalt  }
0x7f: {  	_ =	shalt  }
0x80: {  	_ =	shalt  }
0x81: {  	_ =	shalt  }
0x82: {  	_ =	shalt  }
0x83: {  	_ =	shalt  }
0x84: {  	_ =	shalt  }
0x85: {  	_ =	shalt  }
0x86: {  	_ =	shalt  }
0x87: {  	_ =	shalt  }
.Lfunc_end0:
.L_simem_size_0:
called_computation_lowered:
.L_overlay_start_0:
0x88: {  	s2 =	sld [smem:$0x3FD9]  }
0x89: {  	s3 =	sld [smem:$0x3FFE];
	_ =	sdelay $0x1  }
0x8a: {  	s1 =	srdreg.scid  }
0x8b: {  	s0 =	sand.u32 $0x1, s1  }
0x8c: {  	s14 =	sshll.u32 s0, $0xA;
	s2 =	sadd.s32 s3, s2  }
0x8d: {  	s2 =	sadd.s32 s2, s14  }
0x8e: {  	[smem:$0x3FC5] =	sst s2  }
0x8f: {  	_ = 	snop  }
0x90: {  	s2 =	sld [smem:$0x3FD0];
	_ =	sdelay $0x2  }
0x91: {  	s4 =	simm.s32 $0xA;
	s5 =	simm.s32 $0x10;
	s15 =	sld [smem:$0x3FC7]  }
0x92: {  	[smem:s5], [sflag:s4] =	dma.local [hbm:s2], $0x1  }
0x93: {  	_ =	swait.eq [sflag:s4], $0x1  }
0x94: {  	s16 =	sld [smem:$0x10];
	[sflag:s4] =	ssyncset.done $0x0  }
0x95: {  	s17 =	sld [smem:$0x11];
	[sflag:s4] =	ssyncadd.s32 $0xFFFFFFFF  }
0x96: {  	s18 =	sld [smem:$0x12];
	(tm) =	ssettm $0x1  }
0x97: {  	s6 =	sld [smem:$0x3FFB];
	_ =	sdelay $0x3  }
0x98: {  	_ =	strace s6  }
0x99: {  	s6 =	sld [smem:$0x3FFC];
	_ =	sdelay $0x3  }
0x9a: {  	_ =	strace s6  }
0x9b: {  	s6 =	sld [smem:$0x3FFD];
	_ =	sdelay $0x3  }
0x9c: {  	_ =	strace s6  }
0x9d: {  	_ =	strace $0x8FFFFFFF  }
0x9e: {  	s19 =	sld [smem:$0x3FDB];
	_ =	sdelay $0x1  }
0x9f: {  	s7 =	simm.s32 $_scs_section_size  }
0xa0: {  	s8 =	simm.s32 $_size__tile_overlayer_lowered;
	s9 =	simm.s32 $_tile_overlayer_lowered  }
0xa1: {  	s22 =	simm.s32 $0x1BFF;
	s21 =	sshll.u32 s9, $0x1;
	s6 =	sadd.s32 s7, s19  }
0xa2: {  	s10 =	simm.s32 $0x0;
	s20 =	sshll.u32 s8, $0x1;
	s8 =	sadd.s32 s21, s6  }
0xa3: {  	[timem:s10], [sflag:s22] =	dma.local [hbm:s8], s20  }
0xa4: {  	_ =	swait.ge [sflag:s22], s20  }
0xa5: {  	s7 =	ssub.s32 $0x0, s20;
	[sflag:s22] =	ssyncset.done $0x0  }
0xa6: {  	[sflag:s22] =	ssyncadd.s32 s7;
	_ =	sdelay $0x1  }
0xa7: {  	s23 =	simm.s32 $0x1B8B  }
0xa8: {  	_ =	swait.ge [sflag:s23], $0x1  }
0xa9: {  	[sflag:s23] =	ssyncset.done $0x0  }
0xaa: {  	s25 =	simm.s32 $0x1B8E;
	s24 =	sld [smem:$0x3FFE];
	[sflag:s23] =	ssyncadd.s32 $0xFFFFFFFF  }
0xab: {  	s26 =	simm.s32 $execute0_lowered;
	[smem:$0x3FD2] =	sst s25  }
0xac: {  	s8 =	sshll.u32 s26, $0x1;
	_ =	strace $0x80000046;
	[dreg:$0x1] =	wrdreg $0xFFFFFFFF  }
0xad: {  	s28 =	simm.s32 $_size_execute0_lowered;
	s6 =	sadd.s32 s6, s8;
	[dreg:$0x0] =	wrdreg $0x0  }
0xae: {  	s8 =	sshll.u32 s28, $0x1;
	[dreg:$0x2] =	wrdreg s6  }
0xaf: {  	[dreg:$0x3] =	wrdreg s8  }
0xb0: {  	[dreg:$0x4] =	wrdreg $0xC0  }
0xb1: {  	_ =	task [dreg:s10], $0x5FFFF  }
0xb2: {  	[dreg:$0x1] =	wrdreg $0xFFFFFFFF  }
0xb3: {  	[dreg:$0x0] =	wrdreg $0x60  }
0xb4: {  	[dreg:$0x2] =	wrdreg s18  }
0xb5: {  	[dreg:$0x3] =	wrdreg s24  }
0xb6: {  	[dreg:$0x4] =	wrdreg s15  }
0xb7: {  	[dreg:$0x5] =	wrdreg s16  }
0xb8: {  	[dreg:$0x6] =	wrdreg s17  }
0xb9: {  	[dreg:$0x7] =	wrdreg $0x38800  }
0xba: {  	[dreg:$0x8] =	wrdreg $0x9  }
0xbb: {  	_ =	task.clear_ibuf [dreg:s10], $0x9FFFF;
	_ =	strace $0x90000046  }
0xbc: {  	s29 =	simm.s32 $0x9;
	_ =	strace $0x80000048  }
0xbd: {  	_ =	swait.ge [sflag:s29], $0x1  }
0xbe: {  	[sflag:s29] =	ssyncadd.s32 $0xFFFFFFFF  }
0xbf: {  	_ =	strace $0x90000048  }
0xc0: {  	_ =	sfence  }
0xc1: {  	s30 =	sld [smem:$0x0];
	_ =	sdelay $0x2  }
0xc2: {  	s31 =	sshll.u32 s1, $0xD;
	s1 =	sshrl.u32 s1, $0x2  }
0xc3: {  	s3 =	sand.u32 $0x4000, s31;
	s1 =	sadd.s32 s1, s30  }
0xc4: {  	s0 =	sor.u32 s3, s0;
	s1 =	sshll.u32 s1, $0x11  }
0xc5: {  	s0 =	sor.u32 s1, s0  }
0xc6: {  	s0 =	sadd.s32 $0x8F2B, s0  }
0xc7: {  	[sflag:s0] =	ssyncadd.remote.s32 $0x1  }
0xc8: {  	_ =	sfence.sel $0xFFFF  }
0xc9: {  	[dreg:$0x0] =	wrdreg $0xFFFFFFFF;
	(pc) =	sbr.abs _section_cstart, $3  }
0xca: {  	[dreg:$0x1] =	wrdreg $0xFFFFFFFF  }
0xcb: {  	_ =	task.clear_ibuf [dreg:s10], $0x2FFFF;
	_ =	strace $0x9FFFFFFF  }
0xcc: {  	(tm) =	ssettm $0x7FFFFFFF  }
0xcd: {  	_ =	shalt  }
tec
execute0_lowered:
.L_overlay_start_1:
0x0: {  	(tag) =	ssettag $0x1  }
0x1: {  	s0 =	rddreg [dreg:$0x0]  }
0x2: {  	s5 =	rddreg [dreg:$0x1]  }
0x3: {  	s6 =	rddreg [dreg:$0x2]  }
0x4: {  	s7 =	rddreg [dreg:$0x3]  }
0x5: {  	s8 =	rddreg [dreg:$0x4]  }
0x6: {  	s2 =	rddreg [dreg:$0x5]  }
0x7: {  	s1 =	rddreg [dreg:$0x6];
	s3 =	simm.s32 $0x0;
	s4 =	srdreg.scid  }
0x8: {  	s13 =	stileid.u32;
	s14 =	simm.s32 $0x1;
	s15 =	simm.s32 $0x1080  }
0x9: {  	s17 =	simm.s32 $0x0;
	[smem:$0x7FF] =	sst s3;
	s9 =	sand.u32 $0x1, s4  }
0xa: {  	s4 =	sadd.s32 $0xE00, s5;
	s12 =	sshll.u32 s13, $0x8;
	s31 =	sshll.u32 s13, $0xD  }
0xb: {  	p0 =	sne.s32 s13, $0x0;
	s13 =	simm.s32 $0x80;
	_ =	strace $0x80000047  }
0xc: {  	s10 =	sshll.u32 s9, $0xE;
	s11 =	ssub.s32 $0x2, s9;
	s9 =	sshll.u32 s9, $0x7  }
0xd: {  	s16 =	sshrl.u32 @!p0 s2, $0x3;
	s10 =	sadd.s32 s10, s5;
	s9 =	sor.u32 s9, s12  }
0xe: {  	s30 =	sshrl.u32 s11, $0x1;
	s5 =	sadd.s32 s31, s2;
	s12 =	sshrl.u32 s9, $0x3  }
0xf: {  	s11 =	ssub.s32 s11, s30;
	s9 =	sshll.u32 s9, $0x2;
	s6 =	sadd.s32 s6, s12  }
0x10: {  	s7 =	sadd.s32 s7, s9;
	s8 =	sadd.s32 s8, s9;
	s9 =	sadd.s32 $0x8E00, s10  }
0x11: {  	v0 =	vimm.f32 $0.0e+00;
	v1 =	vimm.f32 $1.000000000e+00;
	s10 =	smax.u32 s11, $0x1;
	s11 =	simm.s32 $0x1880;
	s12 =	simm.s32 $0x2  }
.LBB2_1:
0x12: {  	s18 =	simm.s32 $0x40;
	s19 =	simm.s32 $0x0  }
.LBB2_2:
0x13: {  	p1 =	sne.s32 s18, $0x7FC0;
	[tilespmem:s19+$0x1880] =	vst v0;
	s19 =	smov.u32 s18;
	s18 =	sadd.s32 $0x40, s18  }
.Ltmp0:
0x14: {  	(pc) =	sbr.rel @p1 .LBB2_2-.Ltmp0, $2  }
0x15: {  	_ =	sdelay $0x2  }
0x16: {  	s19 =	sshra.s32 s19, $0x2  }
0x17: {  	[tilespmem:s19+$0x1880] =	vst v0  }
0x18: {  	[spmem:s5] =	stream.linear.scatter [tilespmem:s11], [sflag:$0x2], $0x2000, $0x38;
	[tilespmem:$0x5880] =	vst v63  }
0x19: {  	_ =	swait.ge [sflag:s12], $0x2000  }
0x1a: {  	[sflag:s12] =	ssyncset.done $0x0  }
0x1b: {  	s18 =	simm.s32 $0x40;
	s19 =	simm.s32 $0x0;
	[sflag:s12] =	ssyncadd.s32 $0xFFFFE000  }
.LBB2_4:
0x1c: {  	p1 =	sne.s32 s18, $0x1FC0;
	[tilespmem:s19+$0x1080] =	vst v1;
	s19 =	smov.u32 s18;
	s18 =	sadd.s32 $0x40, s18  }
.Ltmp1:
0x1d: {  	(pc) =	sbr.rel @p1 .LBB2_4-.Ltmp1, $2  }
0x1e: {  	_ =	sdelay $0x2  }
0x1f: {  	s19 =	sshra.s32 s19, $0x2  }
0x20: {  	[tilespmem:s19+$0x1080] =	vst v1  }
0x21: {  	[tilespmem:s3], [sflag:$0x2] =	stream.linear.gather [hbm4b:s6+s3], $0x80, $0x38;
	[tilespmem:$0x5880] =	vst v63  }
0x22: {  	_ =	swait.ge [sflag:s12], $0x80  }
0x23: {  	[sflag:s12] =	ssyncset.done $0x0  }
0x24: {  	[sflag:s12] =	ssyncadd.s32 $0xFFFFFF80  }
0x25: {  	[tilespmem:s13], [sflag:$0x1] =	stream.indirect.gather [hbm4b:s0+s13], $0x20, s3, s13, $0xb8;
	[tilespmem:$0x5880] =	vst v63  }
0x26: {  	_ =	swait.ge [sflag:s14], $0x1000  }
0x27: {  	[sflag:s14] =	ssyncset.done $0x0  }
0x28: {  	[sflag:s14] =	ssyncadd.s32 $0xFFFFF000  }
0x29: {  	[hbm4b:s7+s3] =	stream.linear.scatter [tilespmem:s13], [sflag:$0x2], $0x1000, $0x38;
	[tilespmem:$0x5880] =	vst v63  }
0x2a: {  	_ =	swait.ge [sflag:s12], $0x1000  }
0x2b: {  	[sflag:s12] =	ssyncset.done $0x0  }
0x2c: {  	[sflag:s12] =	ssyncadd.s32 $0xFFFFF000  }
0x2d: {  	[tilespmem:s13], [sflag:$0x1] =	stream.indirect.gather [hbm4b:s4+s13], $0x20, s3, s13, $0xb8;
	[tilespmem:$0x5880] =	vst v63  }
0x2e: {  	_ =	swait.ge [sflag:s14], $0x1000  }
0x2f: {  	[sflag:s14] =	ssyncset.done $0x0  }
0x30: {  	[sflag:s14] =	ssyncadd.s32 $0xFFFFF000  }
0x31: {  	[hbm4b:s8+s3] =	stream.linear.scatter [tilespmem:s13], [sflag:$0x2], $0x1000, $0x38;
	[tilespmem:$0x5880] =	vst v63  }
0x32: {  	_ =	swait.ge [sflag:s12], $0x1000  }
0x33: {  	[sflag:s12] =	ssyncset.done $0x0  }
0x34: {  	[sflag:s12] =	ssyncadd.s32 $0xFFFFF000  }
0x35: {  	[bflag:$0x0] =	sbarrier.arrive $0xFFFF  }
0x36: {  	[spmem:s2] =	stream.indirect.scatter.add.f32 [tilespmem:s15], [sflag:$0x1], $0x10, s3, s13, $0xb8;
	[tilespmem:$0x5880] =	vst v63  }
0x37: {  	_ =	swait.ge [sflag:s14], $0x800  }
0x38: {  	[sflag:s14] =	ssyncset.done $0x0  }
0x39: {  	s17 =	sadd.s32 $0x1, s17;
	[sflag:s14] =	ssyncadd.s32 $0xFFFFF800  }
0x3a: {  	s18 =	simm.s32 @!p0 $0x1C02;
	p1 =	sne.s32 s17, s10;
	[bflag:$0x0] =	sbarrier.arrive $0xFFFF  }
0x3b: {  	[hbm:s9], [sflag:s18] =	dma.local @!p0 [spmem:s16], $0x4000  }
.Ltmp2:
0x3c: {  	_ = 	snop;
	(pc) =	sbr.rel @p1 .LBB2_1-.Ltmp2, $4  }
0x3d: {  	s18 =	simm.s32 @!p0 $0x2  }
0x3e: {  	_ =	swait.ge @!p0 [sflag:s18], $0x4000  }
0x3f: {  	[sflag:s18] =	ssyncset.done @!p0 $0x0  }
0x40: {  	[sflag:s18] =	ssyncadd.s32 @!p0 $0xFFFFC000  }
0x41: {  	_ =	sfence.sel $0x180000  }
0x42: {  	[bflag:$0x0] =	sbarrier.arrive $0xFFFF  }
0x43: {  	_ =	strace $0x90000047  }
0x44: {  	s0 =	sadd.s32 @!p0 $0x100000, s1;
	[bflag:$0x2] =	sbarrier.arrive $0xFFFF  }
0x45: {  	[sflag:s0] =	ssyncadd.tile.s32 @!p0 $0x1;
	_ =	shalt  }
.Lfunc_end2:
_tile_overlayer_lowered:
.L_overlay_start_2:
0x46: {  	(tag) =	ssettag $0x2  }
0x47: {  	s0 =	rddreg [dreg:$0x0];
	s2 =	stileid.u32  }
0x48: {  	s1 =	rddreg [dreg:$0x1];
	p0 =	sne.s32 s2, $0x0  }
0x49: {  	s3 =	rddreg [dreg:$0x2];
	[bflag:$0x3] =	sbarrier.arrive $0xFFFF;
	s2 =	simm.s32 @!p0 $0x1C02  }
0x4a: {  	[timem:s3], [sflag:s2] =	dma.local @!p0 [hbm:s0], s1  }
0x4b: {  	s0 =	simm.s32 @!p0 $0x2  }
0x4c: {  	_ =	swait.ge @!p0 [sflag:s0], s1  }
0x4d: {  	s1 =	ssub.s32 @!p0 $0x0, s1;
	[sflag:s0] =	ssyncset.done @!p0 $0x0  }
0x4e: {  	[sflag:s0] =	ssyncadd.s32 @!p0 s1  }
0x4f: {  	[bflag:$0x3] =	sbarrier.arrive $0xFFFF  }
0x50: {  	_ =	shalt  }

</sc_bundles>
